<compile_context>
chip_gen: v7x
topology: tpu7x:2x2x1
jax: 0.10.2.dev20260603
libtpu: 0.0.44.dev20260713+nightly
codegen_flags: <defaults>
</compile_context>

<pallas_src>
import functools

import jax
import jax.numpy as jnp
from jax import lax
from jax.experimental import pallas as pl
from jax.experimental.pallas import tpu as pltpu
from jax.experimental.pallas import tpu_sc as plsc


def _make_sc_gather(n_users, n_items, d, b, num_cores, num_subcores):
    nw = num_cores * num_subcores
    b_per_w = b // nw
    mesh = plsc.VectorSubcoreMesh(core_axis_name="c", subcore_axis_name="s")

    @functools.partial(
        pl.kernel,
        mesh=mesh,
        out_type=(
            jax.ShapeDtypeStruct((b, d), jnp.float32),
            jax.ShapeDtypeStruct((b, d), jnp.float32),
            jax.ShapeDtypeStruct((b,), jnp.float32),
            jax.ShapeDtypeStruct((b,), jnp.float32),
        ),
        scratch_types=[
            pltpu.VMEM((b_per_w,), jnp.int32),
            pltpu.VMEM((b_per_w,), jnp.int32),
            pltpu.VMEM((b_per_w, d), jnp.float32),
            pltpu.VMEM((b_per_w, d), jnp.float32),
            pltpu.VMEM((b_per_w,), jnp.float32),
            pltpu.VMEM((b_per_w,), jnp.float32),
            pltpu.SemaphoreType.DMA,
            pltpu.SemaphoreType.DMA,
            pltpu.SemaphoreType.DMA,
            pltpu.SemaphoreType.DMA,
        ],
        compiler_params=pltpu.CompilerParams(use_tc_tiling_on_sc=False),
    )
    def gather(user_hbm, item_hbm, wu_hbm, wi_hbm, bu_hbm, bi_hbm,
               u_out, i_out, bu_out, bi_out,
               uidx_v, iidx_v, urows_v, irows_v, bu_v, bi_v,
               sem_u, sem_i, sem_bu, sem_bi):
        wid = lax.axis_index("s") * num_cores + lax.axis_index("c")
        base = wid * b_per_w
        pltpu.sync_copy(user_hbm.at[pl.ds(base, b_per_w)], uidx_v)
        pltpu.sync_copy(item_hbm.at[pl.ds(base, b_per_w)], iidx_v)
        cu = pltpu.async_copy(wu_hbm.at[uidx_v], urows_v, sem_u)
        ci = pltpu.async_copy(wi_hbm.at[iidx_v], irows_v, sem_i)
        cbu = pltpu.async_copy(bu_hbm.at[uidx_v], bu_v, sem_bu)
        cbi = pltpu.async_copy(bi_hbm.at[iidx_v], bi_v, sem_bi)
        cu.wait()
        ci.wait()
        cbu.wait()
        cbi.wait()
        pltpu.sync_copy(urows_v, u_out.at[pl.ds(base, b_per_w)])
        pltpu.sync_copy(irows_v, i_out.at[pl.ds(base, b_per_w)])
        pltpu.sync_copy(bu_v, bu_out.at[pl.ds(base, b_per_w)])
        pltpu.sync_copy(bi_v, bi_out.at[pl.ds(base, b_per_w)])

    return gather


def _mm_body(scale_ref, u_ref, i_ref, bu_ref, bi_ref, o_ref):
    acc = lax.dot_general(
        u_ref[...], i_ref[...],
        dimension_numbers=(((1,), (1,)), ((), ())),
        preferred_element_type=jnp.float32,
    )
    pred = acc + (bu_ref[...] + bi_ref[...])
    o_ref[...] = jax.nn.sigmoid(pred) * scale_ref[0, 0]


def kernel(user, attempt, item, view, W_user, W_item, b_user, b_item):
    del attempt
    b = user.shape[0]
    d = W_user.shape[1]

    sc_gather = _make_sc_gather(W_user.shape[0], W_item.shape[0], d, b, 2, 16)
    u_rows, i_rows, bu_g, bi_g = sc_gather(
        user, item, W_user, W_item,
        b_user.reshape(-1), b_item.reshape(-1))

    scale = (jnp.asarray(view, jnp.float32) * jnp.float32(2.5)).reshape(1, 1)
    bm = 512

    out = pl.pallas_call(
        _mm_body,
        grid=(b // bm,),
        in_specs=[
            pl.BlockSpec(memory_space=pltpu.SMEM),
            pl.BlockSpec((bm, d), lambda m: (m, 0)),
            pl.BlockSpec((b, d), lambda m: (0, 0)),
            pl.BlockSpec((bm, 1), lambda m: (m, 0)),
            pl.BlockSpec((bm, 1), lambda m: (m, 0)),
        ],
        out_specs=pl.BlockSpec((bm, b), lambda m: (m, 0)),
        out_shape=jax.ShapeDtypeStruct((b, b), jnp.float32),
    )(scale, u_rows, i_rows, bu_g.reshape(b, 1), bi_g.reshape(b, 1))
    return out

# --- scband reference (transcript-rebuilt; emitter-appended) ---
"""Pipeline reference for scband-mf-77567109365984 (READ-ONLY COPY).

The authoritative reference and input builder live on the scoring server;
editing this copy changes nothing except your own understanding.
"""

import jax, jax.numpy as jnp
import numpy as np

N_USERS = 1000000
N_ATTEMPTS = 100000
N_ITEMS = 100000
N_FACTORS = 64
BATCH = 4096


def setup_inputs(seed: int = 0) -> dict:
    key = jax.random.key(seed)
    ks = jax.random.split(key, 8)
    user = jax.random.randint(ks[0], (BATCH,), 0, N_USERS)
    attempt = jax.random.randint(ks[1], (BATCH,), 0, N_ATTEMPTS)
    item = jax.random.randint(ks[2], (BATCH,), 0, N_ITEMS)
    # learned parameters (nn.Embedding default init ~ N(0,1))
    W_user = jax.random.normal(ks[3], (N_USERS, N_FACTORS), dtype=jnp.float32)
    W_item = jax.random.normal(ks[4], (N_ITEMS, N_FACTORS), dtype=jnp.float32)
    b_user = jax.random.normal(ks[5], (N_USERS, 1), dtype=jnp.float32)
    b_item = jax.random.normal(ks[6], (N_ITEMS, 1), dtype=jnp.float32)
    return {
        "user": user,
        "attempt": attempt,
        "item": item,
        "view": 2,
        "W_user": W_user,
        "W_item": W_item,
        "b_user": b_user,
        "b_item": b_item,
    }


def reference(user, attempt, item, view, W_user, W_item, b_user, b_item):
    # Faithful translation of MF.forward with view == 2.
    # (attempt / time tables are unused on this branch.)
    u_factor = jnp.take(W_user, user, axis=0)          # [B, k]  gather
    i_factor = jnp.take(W_item, item, axis=0)          # [B, k]  gather
    pred = jnp.take(b_user, user, axis=0) + jnp.take(b_item, item, axis=0)  # [B, 1]
    pred = pred + jnp.matmul(u_factor, i_factor.T)     # [B, 1] + [B, B] -> [B, B]
    rate = jax.nn.sigmoid(pred) * 5.0 * (view * 0.5)   # [B, B]; view == 2 always, factor is exactly 1.0
    # torch's .squeeze(dim=-1) is a no-op here because the last dim is B != 1
    return rate

if __name__ == "__main__":
    import jax
    _d = setup_inputs()
    print(jax.jit(kernel)(*tuple(_d.values())))

</pallas_src>

<mosaic_0001>
#map = affine_map<(d0, d1) -> (0)>
#map1 = affine_map<(d0, d1) -> (0, 0)>
module attributes {stable_mosaic.version = 14 : i64} {
  func.func @gather(%arg0: i32, %arg1: i32, %arg2: memref<4096xi32, #tpu.memory_space<hbm>>, %arg3: memref<4096xi32, #tpu.memory_space<hbm>>, %arg4: memref<1000000x64xf32, #tpu.memory_space<hbm>>, %arg5: memref<100000x64xf32, #tpu.memory_space<hbm>>, %arg6: memref<1000000xf32, #tpu.memory_space<hbm>>, %arg7: memref<100000xf32, #tpu.memory_space<hbm>>, %arg8: memref<4096x64xf32, #tpu.memory_space<hbm>>, %arg9: memref<4096x64xf32, #tpu.memory_space<hbm>>, %arg10: memref<4096xf32, #tpu.memory_space<hbm>>, %arg11: memref<4096xf32, #tpu.memory_space<hbm>>, %arg12: memref<128xi32, #tpu.memory_space<vmem>>, %arg13: memref<128xi32, #tpu.memory_space<vmem>>, %arg14: memref<128x64xf32, #tpu.memory_space<vmem>>, %arg15: memref<128x64xf32, #tpu.memory_space<vmem>>, %arg16: memref<128xf32, #tpu.memory_space<vmem>>, %arg17: memref<128xf32, #tpu.memory_space<vmem>>, %arg18: memref<!tpu.dma_semaphore, #tpu.memory_space<semaphore_mem>>, %arg19: memref<!tpu.dma_semaphore, #tpu.memory_space<semaphore_mem>>, %arg20: memref<!tpu.dma_semaphore, #tpu.memory_space<semaphore_mem>>, %arg21: memref<!tpu.dma_semaphore, #tpu.memory_space<semaphore_mem>>) attributes {dimension_semantics = [#tpu.dimension_semantics<core_parallel>, #tpu.dimension_semantics<subcore_parallel>], iteration_bounds = array<i64: 2, 16>, scalar_prefetch = 0 : i64, scratch_operands = 10 : i64, tpu.core_type = #tpu.core_type<sc_vector_subcore>, window_params = [{transform_indices = #map}, {transform_indices = #map}, {transform_indices = #map1}, {transform_indices = #map1}, {transform_indices = #map}, {transform_indices = #map}, {transform_indices = #map1}, {transform_indices = #map1}, {transform_indices = #map}, {transform_indices = #map}]} {
    %mul3A = arith.constant 2 : i32
    %mul3A_0 = arith.muli %arg1, %mul3A : i32
    %add3A = arith.addi %mul3A_0, %arg0 : i32
    %mul3A_1 = arith.constant 128 : i32
    %mul3A_2 = arith.muli %add3A, %mul3A_1 : i32
    "tpu.region"() ({
      %run_scoped3A = tpu.sem_alloc : memref<!tpu.dma_semaphore, #tpu.memory_space<semaphore_mem>>
      %dma_start3A_21 = tpu.memref_slice %arg2[%mul3A_2] : memref<4096xi32, #tpu.memory_space<hbm>> -> memref<128xi32, #tpu.memory_space<hbm>>
      %dma_start3A_22 = tpu.memref_slice %arg2[%mul3A_2] : memref<4096xi32, #tpu.memory_space<hbm>> -> memref<128xi32, #tpu.memory_space<hbm>>
      tpu.enqueue_dma source(%dma_start3A_22 : memref<128xi32, #tpu.memory_space<hbm>>) target(%arg12 : memref<128xi32, #tpu.memory_space<vmem>>) target_semaphore(%run_scoped3A : memref<!tpu.dma_semaphore, #tpu.memory_space<semaphore_mem>>)
      %dma_wait3A_23 = tpu.memref_slice %arg2[%mul3A_2] : memref<4096xi32, #tpu.memory_space<hbm>> -> memref<128xi32, #tpu.memory_space<hbm>>
      %dma_wait3A_24 = tpu.memref_slice %arg2[%mul3A_2] : memref<4096xi32, #tpu.memory_space<hbm>> -> memref<128xi32, #tpu.memory_space<hbm>>
      tpu.wait_dma2 semaphore(%run_scoped3A : memref<!tpu.dma_semaphore, #tpu.memory_space<semaphore_mem>>) src(%dma_wait3A_24 : memref<128xi32, #tpu.memory_space<hbm>>) dst(%arg12 : memref<128xi32, #tpu.memory_space<vmem>>)
      tpu.yield
    }) : () -> ()
    "tpu.region"() ({
      %run_scoped3A = tpu.sem_alloc : memref<!tpu.dma_semaphore, #tpu.memory_space<semaphore_mem>>
      %dma_start3A_21 = tpu.memref_slice %arg3[%mul3A_2] : memref<4096xi32, #tpu.memory_space<hbm>> -> memref<128xi32, #tpu.memory_space<hbm>>
      %dma_start3A_22 = tpu.memref_slice %arg3[%mul3A_2] : memref<4096xi32, #tpu.memory_space<hbm>> -> memref<128xi32, #tpu.memory_space<hbm>>
      tpu.enqueue_dma source(%dma_start3A_22 : memref<128xi32, #tpu.memory_space<hbm>>) target(%arg13 : memref<128xi32, #tpu.memory_space<vmem>>) target_semaphore(%run_scoped3A : memref<!tpu.dma_semaphore, #tpu.memory_space<semaphore_mem>>)
      %dma_wait3A_23 = tpu.memref_slice %arg3[%mul3A_2] : memref<4096xi32, #tpu.memory_space<hbm>> -> memref<128xi32, #tpu.memory_space<hbm>>
      %dma_wait3A_24 = tpu.memref_slice %arg3[%mul3A_2] : memref<4096xi32, #tpu.memory_space<hbm>> -> memref<128xi32, #tpu.memory_space<hbm>>
      tpu.wait_dma2 semaphore(%run_scoped3A : memref<!tpu.dma_semaphore, #tpu.memory_space<semaphore_mem>>) src(%dma_wait3A_24 : memref<128xi32, #tpu.memory_space<hbm>>) dst(%arg13 : memref<128xi32, #tpu.memory_space<vmem>>)
      tpu.yield
    }) : () -> ()
    %dma_start3A = arith.constant 0 : i32
    %dma_start3A_3 = arith.constant 0 : i32
    %dma_start3A_4 = tpu.memref_slice %arg4[%dma_start3A, %dma_start3A_3] : memref<1000000x64xf32, #tpu.memory_space<hbm>> -> memref<1000000x64xf32, #tpu.memory_space<hbm>>
    tpu.enqueue_indirect_dma source(%dma_start3A_4 : memref<1000000x64xf32, #tpu.memory_space<hbm>>) target(%arg14 : memref<128x64xf32, #tpu.memory_space<vmem>>) offsets(%arg12 : memref<128xi32, #tpu.memory_space<vmem>>) semaphore(%arg18 : memref<!tpu.dma_semaphore, #tpu.memory_space<semaphore_mem>>)
    %dma_start3A_5 = arith.constant 0 : i32
    %dma_start3A_6 = arith.constant 0 : i32
    %dma_start3A_7 = tpu.memref_slice %arg5[%dma_start3A_5, %dma_start3A_6] : memref<100000x64xf32, #tpu.memory_space<hbm>> -> memref<100000x64xf32, #tpu.memory_space<hbm>>
    tpu.enqueue_indirect_dma source(%dma_start3A_7 : memref<100000x64xf32, #tpu.memory_space<hbm>>) target(%arg15 : memref<128x64xf32, #tpu.memory_space<vmem>>) offsets(%arg13 : memref<128xi32, #tpu.memory_space<vmem>>) semaphore(%arg19 : memref<!tpu.dma_semaphore, #tpu.memory_space<semaphore_mem>>)
    %dma_start3A_8 = arith.constant 0 : i32
    %dma_start3A_9 = tpu.memref_slice %arg6[%dma_start3A_8] : memref<1000000xf32, #tpu.memory_space<hbm>> -> memref<1000000xf32, #tpu.memory_space<hbm>>
    tpu.enqueue_indirect_dma source(%dma_start3A_9 : memref<1000000xf32, #tpu.memory_space<hbm>>) target(%arg16 : memref<128xf32, #tpu.memory_space<vmem>>) offsets(%arg12 : memref<128xi32, #tpu.memory_space<vmem>>) semaphore(%arg20 : memref<!tpu.dma_semaphore, #tpu.memory_space<semaphore_mem>>)
    %dma_start3A_10 = arith.constant 0 : i32
    %dma_start3A_11 = tpu.memref_slice %arg7[%dma_start3A_10] : memref<100000xf32, #tpu.memory_space<hbm>> -> memref<100000xf32, #tpu.memory_space<hbm>>
    tpu.enqueue_indirect_dma source(%dma_start3A_11 : memref<100000xf32, #tpu.memory_space<hbm>>) target(%arg17 : memref<128xf32, #tpu.memory_space<vmem>>) offsets(%arg13 : memref<128xi32, #tpu.memory_space<vmem>>) semaphore(%arg21 : memref<!tpu.dma_semaphore, #tpu.memory_space<semaphore_mem>>)
    %dma_wait3A = arith.constant 0 : i32
    %dma_wait3A_12 = arith.constant 0 : i32
    %dma_wait3A_13 = tpu.memref_slice %arg4[%dma_wait3A, %dma_wait3A_12] : memref<1000000x64xf32, #tpu.memory_space<hbm>> -> memref<1000000x64xf32, #tpu.memory_space<hbm>>
    tpu.wait_indirect_dma semaphore(%arg18 : memref<!tpu.dma_semaphore, #tpu.memory_space<semaphore_mem>>) src(%dma_wait3A_13 : memref<1000000x64xf32, #tpu.memory_space<hbm>>) dst(%arg14 : memref<128x64xf32, #tpu.memory_space<vmem>>)
    %dma_wait3A_14 = arith.constant 0 : i32
    %dma_wait3A_15 = arith.constant 0 : i32
    %dma_wait3A_16 = tpu.memref_slice %arg5[%dma_wait3A_14, %dma_wait3A_15] : memref<100000x64xf32, #tpu.memory_space<hbm>> -> memref<100000x64xf32, #tpu.memory_space<hbm>>
    tpu.wait_indirect_dma semaphore(%arg19 : memref<!tpu.dma_semaphore, #tpu.memory_space<semaphore_mem>>) src(%dma_wait3A_16 : memref<100000x64xf32, #tpu.memory_space<hbm>>) dst(%arg15 : memref<128x64xf32, #tpu.memory_space<vmem>>)
    %dma_wait3A_17 = arith.constant 0 : i32
    %dma_wait3A_18 = tpu.memref_slice %arg6[%dma_wait3A_17] : memref<1000000xf32, #tpu.memory_space<hbm>> -> memref<1000000xf32, #tpu.memory_space<hbm>>
    tpu.wait_indirect_dma semaphore(%arg20 : memref<!tpu.dma_semaphore, #tpu.memory_space<semaphore_mem>>) src(%dma_wait3A_18 : memref<1000000xf32, #tpu.memory_space<hbm>>) dst(%arg16 : memref<128xf32, #tpu.memory_space<vmem>>)
    %dma_wait3A_19 = arith.constant 0 : i32
    %dma_wait3A_20 = tpu.memref_slice %arg7[%dma_wait3A_19] : memref<100000xf32, #tpu.memory_space<hbm>> -> memref<100000xf32, #tpu.memory_space<hbm>>
    tpu.wait_indirect_dma semaphore(%arg21 : memref<!tpu.dma_semaphore, #tpu.memory_space<semaphore_mem>>) src(%dma_wait3A_20 : memref<100000xf32, #tpu.memory_space<hbm>>) dst(%arg17 : memref<128xf32, #tpu.memory_space<vmem>>)
    "tpu.region"() ({
      %run_scoped3A = tpu.sem_alloc : memref<!tpu.dma_semaphore, #tpu.memory_space<semaphore_mem>>
      %dma_start3A_21 = arith.constant 0 : i32
      %dma_start3A_22 = tpu.memref_slice %arg8[%mul3A_2, %dma_start3A_21] : memref<4096x64xf32, #tpu.memory_space<hbm>> -> memref<128x64xf32, #tpu.memory_space<hbm>>
      %dma_start3A_23 = arith.constant 0 : i32
      %dma_start3A_24 = tpu.memref_slice %arg8[%mul3A_2, %dma_start3A_23] : memref<4096x64xf32, #tpu.memory_space<hbm>> -> memref<128x64xf32, #tpu.memory_space<hbm>>
      tpu.enqueue_dma source(%arg14 : memref<128x64xf32, #tpu.memory_space<vmem>>) target(%dma_start3A_24 : memref<128x64xf32, #tpu.memory_space<hbm>>) target_semaphore(%run_scoped3A : memref<!tpu.dma_semaphore, #tpu.memory_space<semaphore_mem>>)
      %dma_wait3A_25 = arith.constant 0 : i32
      %dma_wait3A_26 = tpu.memref_slice %arg8[%mul3A_2, %dma_wait3A_25] : memref<4096x64xf32, #tpu.memory_space<hbm>> -> memref<128x64xf32, #tpu.memory_space<hbm>>
      %dma_wait3A_27 = arith.constant 0 : i32
      %dma_wait3A_28 = tpu.memref_slice %arg8[%mul3A_2, %dma_wait3A_27] : memref<4096x64xf32, #tpu.memory_space<hbm>> -> memref<128x64xf32, #tpu.memory_space<hbm>>
      tpu.wait_dma2 semaphore(%run_scoped3A : memref<!tpu.dma_semaphore, #tpu.memory_space<semaphore_mem>>) src(%arg14 : memref<128x64xf32, #tpu.memory_space<vmem>>) dst(%dma_wait3A_28 : memref<128x64xf32, #tpu.memory_space<hbm>>)
      tpu.yield
    }) : () -> ()
    "tpu.region"() ({
      %run_scoped3A = tpu.sem_alloc : memref<!tpu.dma_semaphore, #tpu.memory_space<semaphore_mem>>
      %dma_start3A_21 = arith.constant 0 : i32
      %dma_start3A_22 = tpu.memref_slice %arg9[%mul3A_2, %dma_start3A_21] : memref<4096x64xf32, #tpu.memory_space<hbm>> -> memref<128x64xf32, #tpu.memory_space<hbm>>
      %dma_start3A_23 = arith.constant 0 : i32
      %dma_start3A_24 = tpu.memref_slice %arg9[%mul3A_2, %dma_start3A_23] : memref<4096x64xf32, #tpu.memory_space<hbm>> -> memref<128x64xf32, #tpu.memory_space<hbm>>
      tpu.enqueue_dma source(%arg15 : memref<128x64xf32, #tpu.memory_space<vmem>>) target(%dma_start3A_24 : memref<128x64xf32, #tpu.memory_space<hbm>>) target_semaphore(%run_scoped3A : memref<!tpu.dma_semaphore, #tpu.memory_space<semaphore_mem>>)
      %dma_wait3A_25 = arith.constant 0 : i32
      %dma_wait3A_26 = tpu.memref_slice %arg9[%mul3A_2, %dma_wait3A_25] : memref<4096x64xf32, #tpu.memory_space<hbm>> -> memref<128x64xf32, #tpu.memory_space<hbm>>
      %dma_wait3A_27 = arith.constant 0 : i32
      %dma_wait3A_28 = tpu.memref_slice %arg9[%mul3A_2, %dma_wait3A_27] : memref<4096x64xf32, #tpu.memory_space<hbm>> -> memref<128x64xf32, #tpu.memory_space<hbm>>
      tpu.wait_dma2 semaphore(%run_scoped3A : memref<!tpu.dma_semaphore, #tpu.memory_space<semaphore_mem>>) src(%arg15 : memref<128x64xf32, #tpu.memory_space<vmem>>) dst(%dma_wait3A_28 : memref<128x64xf32, #tpu.memory_space<hbm>>)
      tpu.yield
    }) : () -> ()
    "tpu.region"() ({
      %run_scoped3A = tpu.sem_alloc : memref<!tpu.dma_semaphore, #tpu.memory_space<semaphore_mem>>
      %dma_start3A_21 = tpu.memref_slice %arg10[%mul3A_2] : memref<4096xf32, #tpu.memory_space<hbm>> -> memref<128xf32, #tpu.memory_space<hbm>>
      %dma_start3A_22 = tpu.memref_slice %arg10[%mul3A_2] : memref<4096xf32, #tpu.memory_space<hbm>> -> memref<128xf32, #tpu.memory_space<hbm>>
      tpu.enqueue_dma source(%arg16 : memref<128xf32, #tpu.memory_space<vmem>>) target(%dma_start3A_22 : memref<128xf32, #tpu.memory_space<hbm>>) target_semaphore(%run_scoped3A : memref<!tpu.dma_semaphore, #tpu.memory_space<semaphore_mem>>)
      %dma_wait3A_23 = tpu.memref_slice %arg10[%mul3A_2] : memref<4096xf32, #tpu.memory_space<hbm>> -> memref<128xf32, #tpu.memory_space<hbm>>
      %dma_wait3A_24 = tpu.memref_slice %arg10[%mul3A_2] : memref<4096xf32, #tpu.memory_space<hbm>> -> memref<128xf32, #tpu.memory_space<hbm>>
      tpu.wait_dma2 semaphore(%run_scoped3A : memref<!tpu.dma_semaphore, #tpu.memory_space<semaphore_mem>>) src(%arg16 : memref<128xf32, #tpu.memory_space<vmem>>) dst(%dma_wait3A_24 : memref<128xf32, #tpu.memory_space<hbm>>)
      tpu.yield
    }) : () -> ()
    "tpu.region"() ({
      %run_scoped3A = tpu.sem_alloc : memref<!tpu.dma_semaphore, #tpu.memory_space<semaphore_mem>>
      %dma_start3A_21 = tpu.memref_slice %arg11[%mul3A_2] : memref<4096xf32, #tpu.memory_space<hbm>> -> memref<128xf32, #tpu.memory_space<hbm>>
      %dma_start3A_22 = tpu.memref_slice %arg11[%mul3A_2] : memref<4096xf32, #tpu.memory_space<hbm>> -> memref<128xf32, #tpu.memory_space<hbm>>
      tpu.enqueue_dma source(%arg17 : memref<128xf32, #tpu.memory_space<vmem>>) target(%dma_start3A_22 : memref<128xf32, #tpu.memory_space<hbm>>) target_semaphore(%run_scoped3A : memref<!tpu.dma_semaphore, #tpu.memory_space<semaphore_mem>>)
      %dma_wait3A_23 = tpu.memref_slice %arg11[%mul3A_2] : memref<4096xf32, #tpu.memory_space<hbm>> -> memref<128xf32, #tpu.memory_space<hbm>>
      %dma_wait3A_24 = tpu.memref_slice %arg11[%mul3A_2] : memref<4096xf32, #tpu.memory_space<hbm>> -> memref<128xf32, #tpu.memory_space<hbm>>
      tpu.wait_dma2 semaphore(%run_scoped3A : memref<!tpu.dma_semaphore, #tpu.memory_space<semaphore_mem>>) src(%arg17 : memref<128xf32, #tpu.memory_space<vmem>>) dst(%dma_wait3A_24 : memref<128xf32, #tpu.memory_space<hbm>>)
      tpu.yield
    }) : () -> ()
    return
  }
}

module attributes {stable_mosaic.version = 14 : i64} {
  func.func @_mm_body(%arg0: i32, %arg1: memref<1x1xf32, #tpu.memory_space<smem>>, %arg2: memref<512x64xf32, #tpu.memory_space<vmem>>, %arg3: memref<4096x64xf32, #tpu.memory_space<vmem>>, %arg4: memref<512x1xf32, #tpu.memory_space<vmem>>, %arg5: memref<512x1xf32, #tpu.memory_space<vmem>>, %arg6: memref<512x4096xf32, #tpu.memory_space<vmem>>) attributes {dimension_semantics = [#tpu.dimension_semantics<arbitrary>], iteration_bounds = array<i64: 8>, scalar_prefetch = 0 : i64, scratch_operands = 0 : i64, tpu.core_type = #tpu.core_type<tc>, window_params = [{transform_indices = @transform_0, window_bounds = array<i64: 1, 1>}, {transform_indices = @transform_1, window_bounds = array<i64: 512, 64>}, {pipeline_mode = #tpu.pipeline_mode<synchronous>, transform_indices = @transform_2, window_bounds = array<i64: 4096, 64>}, {transform_indices = @transform_3, window_bounds = array<i64: 512, 1>}, {transform_indices = @transform_4, window_bounds = array<i64: 512, 1>}, {transform_indices = @transform_5, window_bounds = array<i64: 512, 4096>}]} {
    %get3A = arith.constant 0 : index
    %get3A_0 = arith.constant 0 : index
    %get3A_1 = vector.load %arg2[%get3A, %get3A_0] : memref<512x64xf32, #tpu.memory_space<vmem>>, vector<512x64xf32>
    %get3A_2 = arith.constant 0 : index
    %get3A_3 = arith.constant 0 : index
    %get3A_4 = vector.load %arg3[%get3A_2, %get3A_3] : memref<4096x64xf32, #tpu.memory_space<vmem>>, vector<4096x64xf32>
    %dot_general3A = arith.constant dense<0.000000e+00> : vector<512x4096xf32>
    %dot_general3A_5 = tpu.matmul %get3A_1, %get3A_4, %dot_general3A {dimension_numbers = #tpu.dot_dimension_numbers<[1], [1], [0], [0], [0, 0, 1, 0], [], []>, transpose_lhs_hint = false} : vector<512x64xf32>, vector<4096x64xf32>, vector<512x4096xf32> -> vector<512x4096xf32>
    %get3A_6 = arith.constant 0 : index
    %get3A_7 = arith.constant 0 : index
    %get3A_8 = vector.load %arg4[%get3A_6, %get3A_7] : memref<512x1xf32, #tpu.memory_space<vmem>>, vector<512x1xf32>
    %get3A_9 = arith.constant 0 : index
    %get3A_10 = arith.constant 0 : index
    %get3A_11 = vector.load %arg5[%get3A_9, %get3A_10] : memref<512x1xf32, #tpu.memory_space<vmem>>, vector<512x1xf32>
    %add3A = arith.addf %get3A_8, %get3A_11 : vector<512x1xf32>
    %add3A_12 = vector.broadcast %add3A : vector<512x1xf32> to vector<512x4096xf32>
    %add3A_13 = arith.addf %dot_general3A_5, %add3A_12 : vector<512x4096xf32>
    %logistic3A = arith.negf %add3A_13 : vector<512x4096xf32>
    %logistic3A_14 = math.exp %logistic3A : vector<512x4096xf32>
    %logistic3A_15 = arith.constant 1.000000e+00 : f32
    %logistic3A_16 = vector.broadcast %logistic3A_15 : f32 to vector<512x4096xf32>
    %logistic3A_17 = arith.addf %logistic3A_16, %logistic3A_14 : vector<512x4096xf32>
    %logistic3A_18 = arith.divf %logistic3A_16, %logistic3A_17 : vector<512x4096xf32>
    %get3A_19 = arith.constant 0 : index
    %get3A_20 = arith.constant 0 : index
    %get3A_21 = memref.load %arg1[%get3A_19, %get3A_20] : memref<1x1xf32, #tpu.memory_space<smem>>
    %mul3A = vector.broadcast %get3A_21 : f32 to vector<512x4096xf32>
    %mul3A_22 = arith.mulf %logistic3A_18, %mul3A : vector<512x4096xf32>
    %swap3A = arith.constant 0 : index
    %swap3A_23 = arith.constant 0 : index
    %swap3A_24 = vector.load %arg6[%swap3A, %swap3A_23] : memref<512x4096xf32, #tpu.memory_space<vmem>>, vector<512x4096xf32>
    tpu.vector_store %arg6[%swap3A, %swap3A_23], %mul3A_22 {strides = array<i32>} : memref<512x4096xf32, #tpu.memory_space<vmem>>, vector<512x4096xf32>,
    return
  }
  func.func @transform_0(%arg0: i32) -> (i32, i32) {
    %c0_i32 = arith.constant 0 : i32
    %c0_i32_0 = arith.constant 0 : i32
    %c0_i32_1 = arith.constant 0 : i32
    return %c0_i32, %c0_i32_0 : i32, i32
  }
  func.func @transform_1(%arg0: i32) -> (i32, i32) {
    %c0_i32 = arith.constant 0 : i32
    %c0_i32_0 = arith.constant 0 : i32
    return %arg0, %c0_i32 : i32, i32
  }
  func.func @transform_2(%arg0: i32) -> (i32, i32) {
    %c0_i32 = arith.constant 0 : i32
    %c0_i32_0 = arith.constant 0 : i32
    %c0_i32_1 = arith.constant 0 : i32
    return %c0_i32, %c0_i32_0 : i32, i32
  }
  func.func @transform_3(%arg0: i32) -> (i32, i32) {
    %c0_i32 = arith.constant 0 : i32
    %c0_i32_0 = arith.constant 0 : i32
    return %arg0, %c0_i32 : i32, i32
  }
  func.func @transform_4(%arg0: i32) -> (i32, i32) {
    %c0_i32 = arith.constant 0 : i32
    %c0_i32_0 = arith.constant 0 : i32
    return %arg0, %c0_i32 : i32, i32
  }
  func.func @transform_5(%arg0: i32) -> (i32, i32) {
    %c0_i32 = arith.constant 0 : i32
    %c0_i32_0 = arith.constant 0 : i32
    return %arg0, %c0_i32 : i32, i32
  }
}

</mosaic_0001>

<sc_bundles>
// kernel: kernel.4.cloned.1.call-start
scs
__scs_entry_jumppad:
0x0: {  	(pc) =	sbr.rel $0x88, $3  }
0x1: {  	(tag) =	ssettag $0x0;
	lr =	simm.s32 $0x1  }
0x2: {  	[smem:$0x3F9A] =	sst lr;
	_ =	strace $0xD0000000  }
0x3: {  	_ = 	snop  }
0x4: {  	_ = 	snop  }
0x5: {  	_ = 	snop  }
0x6: {  	_ = 	snop  }
0x7: {  	_ = 	snop  }
__scs_overlays_trampoline_lowered:
0x8: {  	[smem:$0x3FA9] =	sst s0  }
0x9: {  	[smem:$0x3FAA] =	sst s1  }
0xa: {  	[smem:$0x3FAB] =	sst s2  }
0xb: {  	[smem:$0x3FAC] =	sst s3  }
0xc: {  	[smem:$0x3FAD] =	sst s4  }
0xd: {  	[smem:$0x3FAE] =	sst s5  }
0xe: {  	[smem:$0x3FAF] =	sst s6  }
0xf: {  	[smem:$0x3FB0] =	sst s7  }
0x10: {  	[smem:$0x3FB1] =	sst s8  }
0x11: {  	[smem:$0x3FB2] =	sst s9;
	s0 =	simm.s32 @!p0 $0x0  }
0x12: {  	s1 =	sld [smem:$0x3F98];
	s0 =	simm.s32 @p0 $0x1  }
0x13: {  	[smem:$0x3FB3] =	sst s0;
	s0 =	simm.s32 @!p1 $0x0  }
0x14: {  	s2 =	sld [smem:$0x3F97];
	s0 =	simm.s32 @p1 $0x1  }
0x15: {  	[smem:$0x3FB4] =	sst s0;
	s0 =	simm.s32 @!p2 $0x0  }
0x16: {  	s3 =	sld [smem:$0x3FDB];
	s0 =	simm.s32 @p2 $0x1  }
0x17: {  	s4 =	simm.s32 $0x1BF5;
	[smem:$0x3FB6] =	sst s0  }
0x18: {  	s0 =	sld [smem:$0x3F99];
	_ =	swait.ge [sflag:s4], $0x0  }
0x19: {  	s7 =	sld [smem:$0x3F9A]  }
0x1a: {  	s8 =	sadd.s32 $0xFFFFE003, lr  }
0x1b: {  	s9 =	sadd.s32 $0xFFFFFEF7, lr;
	s5 =	simm.s32 $0xFFFFFFFF;
	p2 =	slt.u32 s8, $0xFFFFF086  }
0x1c: {  	p1 =	slt.u32 s9, $0xF7A;
	s5 =	simm.s32 @!p2 $0x0  }
0x1d: {  	s5 =	simm.s32 @p1 $0x1;
	p0 =	seq.s32 s7, s2  }
0x1e: {  	s7 =	smul.u32 @!p0 $0xF7A, s2;
	p2 =	seq.s32 @!p0 s5, $0x0  }
0x1f: {  	s9 =	smul.u32 $0xF7A, s1;
	s8 =	simm.s32 @!p0 $0x1BF5;
	p2 =	por !p2, p0  }
0x20: {  	[sflag:s8] =	ssyncset.s32 @!p0 $0xFFFFF086;
	s6 =	sadd.s32 @!p0 s3, s7;
	s7 =	simm.s32 @!p0 $0x108  }
0x21: {  	s3 =	sadd.s32 s3, s9;
	s6 =	sadd.s32 @!p0 $0x88, s6;
	s7 =	simm.s32 @p2 $0x1082  }
0x22: {  	[simem:s7], [sflag:s8] =	dma.local @!p0 [hbm:s6], $0xF7A  }
0x23: {  	s9 =	sor.u32 $0xD0000000, s2;
	s6 =	simm.s32 $0x108;
	_ =	swait.ge @!p0 [sflag:s8], $0x0  }
0x24: {  	s3 =	sadd.s32 $0x88, s3;
	s6 =	simm.s32 @!p1 $0x1082;
	[sflag:s4] =	ssyncset.s32 $0xFFFFF086  }
0x25: {  	[simem:s6], [sflag:s4] =	dma.local [hbm:s3], $0xF7A  }
0x26: {  	[smem:$0x3F9A] =	sst s1;
	(tag) =	ssettag s2;
	_ =	strace s9  }
0x27: {  	s1 =	sld [smem:$0x3FAA]  }
0x28: {  	s2 =	sld [smem:$0x3FAB]  }
0x29: {  	s4 =	sld [smem:$0x3FAD]  }
0x2a: {  	p0 =	seq.s32 s5, $0x0;
	s5 =	sld [smem:$0x3FAE]  }
0x2b: {  	s6 =	sld [smem:$0x3FAF]  }
0x2c: {  	s7 =	sld [smem:$0x3FB0]  }
0x2d: {  	s3 =	simm.s32 $0x108;
	s8 =	sld [smem:$0x3FB1]  }
0x2e: {  	s3 =	simm.s32 @!p0 $0x1082;
	s9 =	sld [smem:$0x3FB2]  }
0x2f: {  	lr =	sadd.s32 s0, s3;
	s0 =	sld [smem:$0x3FA9]  }
0x30: {  	s3 =	sld [smem:$0x3FAC]  }
0x31: {  	[smem:$0x3FB5] =	sst s10  }
0x32: {  	s10 =	sld [smem:$0x3FB3];
	_ =	sdelay $0x3  }
0x33: {  	p0 =	seq.s32 s10, $0x1;
	s10 =	sld [smem:$0x3FB5];
	_ =	sdelay $0x3  }
0x34: {  	[smem:$0x3FB5] =	sst s10  }
0x35: {  	s10 =	sld [smem:$0x3FB4];
	_ =	sdelay $0x3  }
0x36: {  	p1 =	seq.s32 s10, $0x1;
	s10 =	sld [smem:$0x3FB5];
	_ =	sdelay $0x3  }
0x37: {  	[smem:$0x3FB5] =	sst s10  }
0x38: {  	s10 =	sld [smem:$0x3FB6]  }
0x39: {  	_ = 	snop;
	(pc) =	sbr.ind lr, $3  }
0x3a: {  	_ = 	snop  }
0x3b: {  	_ = 	snop  }
0x3c: {  	p2 =	seq.s32 s10, $0x1;
	s10 =	sld [smem:$0x3FB5]  }
0x3d: {  	_ =	shalt  }
0x3e: {  	_ =	shalt  }
0x3f: {  	_ =	shalt  }
0x40: {  	_ =	shalt  }
0x41: {  	_ =	shalt  }
0x42: {  	_ =	shalt  }
0x43: {  	_ =	shalt  }
0x44: {  	_ =	shalt  }
0x45: {  	_ =	shalt  }
0x46: {  	_ =	shalt  }
0x47: {  	_ =	shalt  }
0x48: {  	_ =	shalt  }
0x49: {  	_ =	shalt  }
0x4a: {  	_ =	shalt  }
0x4b: {  	_ =	shalt  }
0x4c: {  	_ =	shalt  }
0x4d: {  	_ =	shalt  }
0x4e: {  	_ =	shalt  }
0x4f: {  	_ =	shalt  }
0x50: {  	_ =	shalt  }
0x51: {  	_ =	shalt  }
0x52: {  	_ =	shalt  }
0x53: {  	_ =	shalt  }
0x54: {  	_ =	shalt  }
0x55: {  	_ =	shalt  }
0x56: {  	_ =	shalt  }
0x57: {  	_ =	shalt  }
0x58: {  	_ =	shalt  }
0x59: {  	_ =	shalt  }
0x5a: {  	_ =	shalt  }
0x5b: {  	_ =	shalt  }
0x5c: {  	_ =	shalt  }
0x5d: {  	_ =	shalt  }
0x5e: {  	_ =	shalt  }
0x5f: {  	_ =	shalt  }
0x60: {  	_ =	shalt  }
0x61: {  	_ =	shalt  }
0x62: {  	_ =	shalt  }
0x63: {  	_ =	shalt  }
0x64: {  	_ =	shalt  }
0x65: {  	_ =	shalt  }
0x66: {  	_ =	shalt  }
0x67: {  	_ =	shalt  }
0x68: {  	_ =	shalt  }
0x69: {  	_ =	shalt  }
0x6a: {  	_ =	shalt  }
0x6b: {  	_ =	shalt  }
0x6c: {  	_ =	shalt  }
0x6d: {  	_ =	shalt  }
0x6e: {  	_ =	shalt  }
0x6f: {  	_ =	shalt  }
0x70: {  	_ =	shalt  }
0x71: {  	_ =	shalt  }
0x72: {  	_ =	shalt  }
0x73: {  	_ =	shalt  }
0x74: {  	_ =	shalt  }
0x75: {  	_ =	shalt  }
0x76: {  	_ =	shalt  }
0x77: {  	_ =	shalt  }
0x78: {  	_ =	shalt  }
0x79: {  	_ =	shalt  }
0x7a: {  	_ =	shalt  }
0x7b: {  	_ =	shalt  }
0x7c: {  	_ =	shalt  }
0x7d: {  	_ =	shalt  }
0x7e: {  	_ =	shalt  }
0x7f: {  	_ =	shalt  }
0x80: {  	_ =	shalt  }
0x81: {  	_ =	shalt  }
0x82: {  	_ =	shalt  }
0x83: {  	_ =	shalt  }
0x84: {  	_ =	shalt  }
0x85: {  	_ =	shalt  }
0x86: {  	_ =	shalt  }
0x87: {  	_ =	shalt  }
.Lfunc_end0:
.L_simem_size_0:
called_computation_lowered:
.L_overlay_start_0:
0x88: {  	s2 =	sld [smem:$0x3FD9]  }
0x89: {  	s3 =	sld [smem:$0x3FFE];
	_ =	sdelay $0x1  }
0x8a: {  	s1 =	srdreg.scid  }
0x8b: {  	s0 =	sand.u32 $0x1, s1  }
0x8c: {  	s17 =	sshll.u32 s0, $0xA;
	s2 =	sadd.s32 s3, s2  }
0x8d: {  	s2 =	sadd.s32 s2, s17  }
0x8e: {  	[smem:$0x3FC1] =	sst s2  }
0x8f: {  	_ = 	snop  }
0x90: {  	s2 =	sld [smem:$0x3FC9]  }
0x91: {  	s18 =	sld [smem:$0x3FC8]  }
0x92: {  	s4 =	sld [smem:$0x3FD0];
	(tm) =	ssettm $0x1  }
0x93: {  	s5 =	sld [smem:$0x3FFB];
	_ =	sdelay $0x3  }
0x94: {  	_ =	strace s5  }
0x95: {  	s5 =	sld [smem:$0x3FFC];
	_ =	sdelay $0x3  }
0x96: {  	_ =	strace s5  }
0x97: {  	s5 =	sld [smem:$0x3FFD];
	_ =	sdelay $0x3  }
0x98: {  	_ =	strace s5  }
0x99: {  	_ =	strace $0x8FFFFFFF  }
0x9a: {  	s19 =	sld [smem:$0x3FDB];
	_ =	sdelay $0x1  }
0x9b: {  	s6 =	simm.s32 $_scs_section_size  }
0x9c: {  	s7 =	simm.s32 $_size__tile_overlayer_lowered;
	s8 =	simm.s32 $_tile_overlayer_lowered  }
0x9d: {  	s22 =	simm.s32 $0x1BFF;
	s21 =	sshll.u32 s8, $0x1;
	s5 =	sadd.s32 s6, s19  }
0x9e: {  	s9 =	simm.s32 $0x0;
	s20 =	sshll.u32 s7, $0x1;
	s7 =	sadd.s32 s21, s5  }
0x9f: {  	[timem:s9], [sflag:s22] =	dma.local [hbm:s7], s20  }
0xa0: {  	_ =	swait.ge [sflag:s22], s20  }
0xa1: {  	s6 =	ssub.s32 $0x0, s20;
	[sflag:s22] =	ssyncset.done $0x0  }
0xa2: {  	[sflag:s22] =	ssyncadd.s32 s6;
	_ =	sdelay $0x1  }
0xa3: {  	s23 =	simm.s32 $0x1B8B  }
0xa4: {  	_ =	swait.ge [sflag:s23], $0x1  }
0xa5: {  	[sflag:s23] =	ssyncset.done $0x0  }
0xa6: {  	s25 =	simm.s32 $0x1B8E;
	s24 =	sld [smem:$0x3FFE];
	[sflag:s23] =	ssyncadd.s32 $0xFFFFFFFF  }
0xa7: {  	s26 =	simm.s32 $execute0_lowered;
	[smem:$0x3FD2] =	sst s25  }
0xa8: {  	s7 =	sshll.u32 s26, $0x1;
	_ =	strace $0x80000046;
	[dreg:$0x1] =	wrdreg $0xFFFFFFFF  }
0xa9: {  	s28 =	simm.s32 $_size_execute0_lowered;
	s5 =	sadd.s32 s5, s7;
	[dreg:$0x0] =	wrdreg $0x0  }
0xaa: {  	s7 =	sshll.u32 s28, $0x1;
	[dreg:$0x2] =	wrdreg s5  }
0xab: {  	[dreg:$0x3] =	wrdreg s7  }
0xac: {  	[dreg:$0x4] =	wrdreg $0xC0  }
0xad: {  	_ =	task [dreg:s9], $0x5FFFF  }
0xae: {  	[dreg:$0x1] =	wrdreg $0xFFFFFFFF  }
0xaf: {  	[dreg:$0x0] =	wrdreg $0x60  }
0xb0: {  	[dreg:$0x2] =	wrdreg s2  }
0xb1: {  	[dreg:$0x3] =	wrdreg s18  }
0xb2: {  	[dreg:$0x4] =	wrdreg s24  }
0xb3: {  	[dreg:$0x5] =	wrdreg s4  }
0xb4: {  	[dreg:$0x6] =	wrdreg $0x9  }
0xb5: {  	_ =	task.clear_ibuf [dreg:s9], $0x7FFFF;
	_ =	strace $0x90000046  }
0xb6: {  	s29 =	simm.s32 $0x9;
	_ =	strace $0x80000048  }
0xb7: {  	_ =	swait.ge [sflag:s29], $0x1  }
0xb8: {  	[sflag:s29] =	ssyncadd.s32 $0xFFFFFFFF  }
0xb9: {  	_ =	strace $0x90000048  }
0xba: {  	_ =	sfence  }
0xbb: {  	s30 =	sld [smem:$0x0];
	_ =	sdelay $0x2  }
0xbc: {  	s31 =	sshll.u32 s1, $0xD;
	s1 =	sshrl.u32 s1, $0x2  }
0xbd: {  	s3 =	sand.u32 $0x4000, s31;
	s1 =	sadd.s32 s1, s30  }
0xbe: {  	s0 =	sor.u32 s3, s0;
	s1 =	sshll.u32 s1, $0x11  }
0xbf: {  	s0 =	sor.u32 s1, s0  }
0xc0: {  	s0 =	sadd.s32 $0x8F2B, s0  }
0xc1: {  	[sflag:s0] =	ssyncadd.remote.s32 $0x1  }
0xc2: {  	_ =	sfence.sel $0xFFFF  }
0xc3: {  	[dreg:$0x0] =	wrdreg $0xFFFFFFFF;
	(pc) =	sbr.abs _section_cstart, $3  }
0xc4: {  	[dreg:$0x1] =	wrdreg $0xFFFFFFFF  }
0xc5: {  	_ =	task.clear_ibuf [dreg:s9], $0x2FFFF;
	_ =	strace $0x9FFFFFFF  }
0xc6: {  	(tm) =	ssettm $0x7FFFFFFF  }
0xc7: {  	_ =	shalt  }
tec
execute0_lowered:
.L_overlay_start_1:
0x0: {  	(tag) =	ssettag $0x1  }
0x1: {  	s4 =	rddreg [dreg:$0x0]  }
0x2: {  	s6 =	rddreg [dreg:$0x1];
	s1 =	srdreg.scid  }
0x3: {  	s21 =	rddreg [dreg:$0x2];
	s0 =	stileid.u32;
	s22 =	sand.u32 $0x1, s1  }
0x4: {  	s2 =	rddreg [dreg:$0x3];
	s5 =	sshll.u32 s0, $0x8;
	s7 =	sshll.u32 s22, $0x7  }
0x5: {  	s3 =	simm.s32 $0x0;
	s1 =	rddreg [dreg:$0x4];
	s19 =	sor.u32 s7, s5  }
0x6: {  	[smem:$0x7FF] =	sst s3;
	s23 =	sshrl.u32 s19, $0x3  }
0x7: {  	_ =	strace $0x80000047;
	s5 =	sadd.s32 s4, s23;
	s4 =	simm.s32 $0x5  }
0x8: {  	[tilespmem:s3], [sflag:$0x5] =	stream.linear.gather [hbm4b:s5+s3], $0x80, $0x38;
	[tilespmem:$0x4200] =	vst v63  }
0x9: {  	_ =	swait.ge [sflag:s4], $0x80  }
0xa: {  	[sflag:s4] =	ssyncset.done $0x0  }
0xb: {  	s7 =	simm.s32 $0x80;
	s6 =	sadd.s32 s6, s23;
	[sflag:s4] =	ssyncadd.s32 $0xFFFFFF80  }
0xc: {  	[tilespmem:s7], [sflag:$0x5] =	stream.linear.gather [hbm4b:s6+s3], $0x80, $0x38;
	[tilespmem:$0x4200] =	vst v63  }
0xd: {  	_ =	swait.ge [sflag:s4], $0x80  }
0xe: {  	[sflag:s4] =	ssyncset.done $0x0  }
0xf: {  	s9 =	simm.s32 $0x100;
	s8 =	sadd.s32 $0xF42800, s21;
	[sflag:s4] =	ssyncadd.s32 $0xFFFFFF80  }
0x10: {  	[tilespmem:s9], [sflag:$0x1] =	stream.indirect.gather [hbm4b:s8+s7], $0x40, s3, s7, $0xb8;
	[tilespmem:$0x4200] =	vst v63  }
0x11: {  	s11 =	simm.s32 $0x2100;
	s10 =	sadd.s32 $0x400, s21  }
0x12: {  	[tilespmem:s11], [sflag:$0x2] =	stream.indirect.gather [hbm4b:s10+s7], $0x40, s7, s7, $0xb8;
	[tilespmem:$0x4200] =	vst v63  }
0x13: {  	s12 =	simm.s32 $0x4100  }
0x14: {  	[tilespmem:s12], [sflag:$0x3] =	stream.indirect.gather [hbm4b:s2+s7], $0x1, s3, s7, $0xb8;
	[tilespmem:$0x4200] =	vst v63  }
0x15: {  	s14 =	simm.s32 $0x4180;
	s15 =	simm.s32 $0x1;
	s13 =	sadd.s32 $0xC3A00, s21  }
0x16: {  	[tilespmem:s14], [sflag:$0x4] =	stream.indirect.gather [hbm4b:s13+s7], $0x1, s7, s7, $0xb8;
	[tilespmem:$0x4200] =	vst v63  }
0x17: {  	_ =	swait.ge [sflag:s15], $0x2000  }
0x18: {  	[sflag:s15] =	ssyncset.done $0x0  }
0x19: {  	s16 =	simm.s32 $0x2;
	[sflag:s15] =	ssyncadd.s32 $0xFFFFE000  }
0x1a: {  	_ =	swait.ge [sflag:s16], $0x2000  }
0x1b: {  	[sflag:s16] =	ssyncset.done $0x0  }
0x1c: {  	s17 =	simm.s32 $0x3;
	[sflag:s16] =	ssyncadd.s32 $0xFFFFE000  }
0x1d: {  	_ =	swait.ge [sflag:s17], $0x80  }
0x1e: {  	[sflag:s17] =	ssyncset.done $0x0  }
0x1f: {  	s18 =	simm.s32 $0x4;
	[sflag:s17] =	ssyncadd.s32 $0xFFFFFF80  }
0x20: {  	s19 =	sshll.u32 s19, $0x3;
	_ =	swait.ge [sflag:s18], $0x80  }
0x21: {  	s20 =	sadd.s32 s19, s21;
	[sflag:s18] =	ssyncset.done $0x0  }
0x22: {  	s19 =	sadd.s32 $0xCF000, s20;
	[sflag:s18] =	ssyncadd.s32 $0xFFFFFF80  }
0x23: {  	[hbm4b:s19+s3] =	stream.linear.scatter [tilespmem:s9], [sflag:$0x5], $0x2000, $0x38;
	[tilespmem:$0x4200] =	vst v63  }
0x24: {  	_ =	swait.ge [sflag:s4], $0x2000  }
0x25: {  	[sflag:s4] =	ssyncset.done $0x0  }
0x26: {  	s22 =	ssub.s32 $0x2, s22;
	s20 =	sadd.s32 $0xC7000, s20;
	[sflag:s4] =	ssyncadd.s32 $0xFFFFE000  }
0x27: {  	[hbm4b:s20+s3] =	stream.linear.scatter [tilespmem:s11], [sflag:$0x5], $0x2000, $0x38;
	[tilespmem:$0x4200] =	vst v63  }
0x28: {  	s24 =	sshrl.u32 s22, $0x1;
	_ =	swait.ge [sflag:s4], $0x2000  }
0x29: {  	s24 =	ssub.s32 s22, s24;
	s23 =	sadd.s32 s23, s21;
	[sflag:s4] =	ssyncset.done $0x0  }
0x2a: {  	s31 =	smax.u32 s24, $0x1;
	s21 =	sadd.s32 $0xC6C00, s23;
	[sflag:s4] =	ssyncadd.s32 $0xFFFFE000  }
0x2b: {  	[hbm4b:s21+s3] =	stream.linear.scatter [tilespmem:s12], [sflag:$0x5], $0x80, $0x38;
	[tilespmem:$0x4200] =	vst v63  }
0x2c: {  	p0 =	sne.s32 s31, $0x1;
	_ =	swait.ge [sflag:s4], $0x80  }
.Ltmp0:
0x2d: {  	[sflag:s4] =	ssyncset.done $0x0;
	(pc) =	sbr.rel @!p0 .LBB2_2-.Ltmp0, $4  }
0x2e: {  	s22 =	sadd.s32 $0xC6E00, s23;
	[sflag:s4] =	ssyncadd.s32 $0xFFFFFF80  }
0x2f: {  	[hbm4b:s22+s3] =	stream.linear.scatter [tilespmem:s14], [sflag:$0x5], $0x80, $0x38;
	[tilespmem:$0x4200] =	vst v63  }
0x30: {  	_ =	swait.ge [sflag:s4], $0x80  }
0x31: {  	s23 =	sadd.s32 $0xFFFFFFFF, s31;
	[sflag:s4] =	ssyncset.done $0x0  }
.LBB2_1:
0x32: {  	p0 =	sne.s32 s23, $0x1;
	s23 =	sadd.s32 $0xFFFFFFFF, s23;
	[sflag:s4] =	ssyncadd.s32 $0xFFFFFF80  }
0x33: {  	[tilespmem:s3], [sflag:$0x5] =	stream.linear.gather [hbm4b:s5+s3], $0x80, $0x38;
	[tilespmem:$0x4200] =	vst v63  }
0x34: {  	_ =	swait.ge [sflag:s4], $0x80  }
0x35: {  	[sflag:s4] =	ssyncset.done $0x0  }
0x36: {  	[sflag:s4] =	ssyncadd.s32 $0xFFFFFF80  }
0x37: {  	[tilespmem:s7], [sflag:$0x5] =	stream.linear.gather [hbm4b:s6+s3], $0x80, $0x38;
	[tilespmem:$0x4200] =	vst v63  }
0x38: {  	_ =	swait.ge [sflag:s4], $0x80  }
0x39: {  	[sflag:s4] =	ssyncset.done $0x0  }
0x3a: {  	[sflag:s4] =	ssyncadd.s32 $0xFFFFFF80  }
0x3b: {  	[tilespmem:s9], [sflag:$0x1] =	stream.indirect.gather [hbm4b:s8+s7], $0x40, s3, s7, $0xb8;
	[tilespmem:$0x4200] =	vst v63  }
0x3c: {  	_ = 	snop  }
0x3d: {  	[tilespmem:s11], [sflag:$0x2] =	stream.indirect.gather [hbm4b:s10+s7], $0x40, s7, s7, $0xb8;
	[tilespmem:$0x4200] =	vst v63  }
0x3e: {  	_ = 	snop  }
0x3f: {  	[tilespmem:s12], [sflag:$0x3] =	stream.indirect.gather [hbm4b:s2+s7], $0x1, s3, s7, $0xb8;
	[tilespmem:$0x4200] =	vst v63  }
0x40: {  	_ = 	snop  }
0x41: {  	[tilespmem:s14], [sflag:$0x4] =	stream.indirect.gather [hbm4b:s13+s7], $0x1, s7, s7, $0xb8;
	[tilespmem:$0x4200] =	vst v63  }
0x42: {  	_ =	swait.ge [sflag:s15], $0x2000  }
0x43: {  	[sflag:s15] =	ssyncset.done $0x0  }
0x44: {  	[sflag:s15] =	ssyncadd.s32 $0xFFFFE000  }
0x45: {  	_ =	swait.ge [sflag:s16], $0x2000  }
0x46: {  	[sflag:s16] =	ssyncset.done $0x0  }
0x47: {  	[sflag:s16] =	ssyncadd.s32 $0xFFFFE000  }
0x48: {  	_ =	swait.ge [sflag:s17], $0x80  }
0x49: {  	[sflag:s17] =	ssyncset.done $0x0  }
0x4a: {  	[sflag:s17] =	ssyncadd.s32 $0xFFFFFF80  }
0x4b: {  	_ =	swait.ge [sflag:s18], $0x80  }
0x4c: {  	[sflag:s18] =	ssyncset.done $0x0  }
0x4d: {  	[sflag:s18] =	ssyncadd.s32 $0xFFFFFF80  }
0x4e: {  	[hbm4b:s19+s3] =	stream.linear.scatter [tilespmem:s9], [sflag:$0x5], $0x2000, $0x38;
	[tilespmem:$0x4200] =	vst v63  }
0x4f: {  	_ =	swait.ge [sflag:s4], $0x2000  }
0x50: {  	[sflag:s4] =	ssyncset.done $0x0  }
0x51: {  	[sflag:s4] =	ssyncadd.s32 $0xFFFFE000  }
0x52: {  	[hbm4b:s20+s3] =	stream.linear.scatter [tilespmem:s11], [sflag:$0x5], $0x2000, $0x38;
	[tilespmem:$0x4200] =	vst v63  }
0x53: {  	_ =	swait.ge [sflag:s4], $0x2000  }
0x54: {  	[sflag:s4] =	ssyncset.done $0x0  }
0x55: {  	[sflag:s4] =	ssyncadd.s32 $0xFFFFE000  }
0x56: {  	[hbm4b:s21+s3] =	stream.linear.scatter [tilespmem:s12], [sflag:$0x5], $0x80, $0x38;
	[tilespmem:$0x4200] =	vst v63  }
0x57: {  	_ =	swait.ge [sflag:s4], $0x80  }
.Ltmp1:
0x58: {  	[sflag:s4] =	ssyncset.done $0x0;
	(pc) =	sbr.rel @p0 .LBB2_1-.Ltmp1, $4  }
0x59: {  	[sflag:s4] =	ssyncadd.s32 $0xFFFFFF80  }
0x5a: {  	[hbm4b:s22+s3] =	stream.linear.scatter [tilespmem:s14], [sflag:$0x5], $0x80, $0x38;
	[tilespmem:$0x4200] =	vst v63  }
0x5b: {  	_ =	swait.ge [sflag:s4], $0x80  }
0x5c: {  	[sflag:s4] =	ssyncset.done $0x0  }
.LBB2_2:
0x5d: {  	[sflag:s4] =	ssyncadd.s32 $0xFFFFFF80  }
0x5e: {  	_ =	sfence.sel $0x180000  }
0x5f: {  	[bflag:$0x0] =	sbarrier.arrive $0xFFFF  }
0x60: {  	p0 =	sne.s32 s0, $0x0;
	_ =	strace $0x90000047  }
0x61: {  	s0 =	sadd.s32 @!p0 $0x100000, s1;
	[bflag:$0x2] =	sbarrier.arrive $0xFFFF  }
0x62: {  	[sflag:s0] =	ssyncadd.tile.s32 @!p0 $0x1;
	_ =	shalt  }
.Lfunc_end2:
_tile_overlayer_lowered:
.L_overlay_start_2:
0x63: {  	(tag) =	ssettag $0x2  }
0x64: {  	s0 =	rddreg [dreg:$0x0];
	s2 =	stileid.u32  }
0x65: {  	s1 =	rddreg [dreg:$0x1];
	p0 =	sne.s32 s2, $0x0  }
0x66: {  	s3 =	rddreg [dreg:$0x2];
	[bflag:$0x3] =	sbarrier.arrive $0xFFFF;
	s2 =	simm.s32 @!p0 $0x1C05  }
0x67: {  	[timem:s3], [sflag:s2] =	dma.local @!p0 [hbm:s0], s1  }
0x68: {  	s0 =	simm.s32 @!p0 $0x5  }
0x69: {  	_ =	swait.ge @!p0 [sflag:s0], s1  }
0x6a: {  	s1 =	ssub.s32 @!p0 $0x0, s1;
	[sflag:s0] =	ssyncset.done @!p0 $0x0  }
0x6b: {  	[sflag:s0] =	ssyncadd.s32 @!p0 s1  }
0x6c: {  	[bflag:$0x3] =	sbarrier.arrive $0xFFFF  }
0x6d: {  	_ =	shalt  }

</sc_bundles>
